<compile_context>
chip_gen: v7x
topology: tpu7x:2x2x1
jax: 0.10.2.dev20260603
libtpu: 0.0.44.dev20260713+nightly
codegen_flags: <defaults>
</compile_context>

<pallas_src>
import functools

import jax
import jax.numpy as jnp
from jax import lax
from jax.experimental import pallas as pl
from jax.experimental.pallas import tpu as pltpu
from jax.experimental.pallas import tpu_sc as plsc

N_NODES = 10000
N_EDGES = 160000
N_ORB = 37
MAX_Z = 100
EMBED = 16
OUT_W = N_ORB * EMBED
KDIM = 128


_NC = 2
_NS = 16
_NW = _NC * _NS
_EPW = N_EDGES // _NW
_EPW_PAD = ((_EPW + 15) // 16) * 16


def _make_zj_kernel():
    mesh = plsc.VectorSubcoreMesh(core_axis_name="c", subcore_axis_name="s")

    @functools.partial(
        pl.kernel,
        out_type=jax.ShapeDtypeStruct((N_EDGES,), jnp.int32),
        mesh=mesh,
        scratch_types=[
            pltpu.VMEM((N_NODES,), jnp.int32),
            pltpu.VMEM((_EPW_PAD,), jnp.int32),
            pltpu.VMEM((_EPW_PAD,), jnp.int32),
            pltpu.SemaphoreType.DMA,
            pltpu.SemaphoreType.DMA,
        ],
        compiler_params=pltpu.CompilerParams(needs_layout_passes=False),
    )
    def zj_kernel(z_hbm, idx_hbm, out_hbm, z_v, idx_v, zj_v, sem_z, sem_i):
        wid = lax.axis_index("s") * _NC + lax.axis_index("c")
        base = wid * _EPW
        idx_v[pl.ds(_EPW_PAD - 16, 16)] = jnp.zeros((16,), jnp.int32)
        cp_z = pltpu.async_copy(z_hbm, z_v, sem_z)
        cp_i = pltpu.async_copy(
            idx_hbm.at[pl.ds(base, _EPW)], idx_v.at[pl.ds(0, _EPW)], sem_i
        )
        cp_z.wait()
        cp_i.wait()

        @plsc.parallel_loop(0, _EPW_PAD // 16, 1, unroll=8)
        def body(i):
            idx16 = idx_v[pl.ds(i * 16, 16)]
            zj_v[pl.ds(i * 16, 16)] = plsc.load_gather(z_v, [idx16])

        pltpu.sync_copy(zj_v.at[pl.ds(0, _EPW)], out_hbm.at[pl.ds(base, _EPW)])

    return zj_kernel



_B = 3200
_NB = N_EDGES // _B


def _expand_body(zj_ref, vet_ref, out_ref):
    zj_row = zj_ref[0]
    iota = lax.broadcasted_iota(jnp.int32, (KDIM, _B), 0)
    onehot_t = (iota == zj_row).astype(jnp.bfloat16)
    out_ref[...] = lax.dot_general(
        vet_ref[...], onehot_t,
        dimension_numbers=(((1,), (0,)), ((), ())),
        preferred_element_type=jnp.float32,
    )


def _expand_call(zj3, vet):
    return pl.pallas_call(
        _expand_body,
        grid=(_NB,),
        in_specs=[
            pl.BlockSpec((1, 1, _B), lambda i: (i, 0, 0)),
            pl.BlockSpec((OUT_W, KDIM), lambda i: (0, 0)),
        ],
        out_specs=pl.BlockSpec((OUT_W, _B), lambda i: (0, i)),
        out_shape=jax.ShapeDtypeStruct((OUT_W, N_EDGES), jnp.float32),
    )(zj3, vet)


def kernel(z, idx_j, valence):
    z = z.astype(jnp.int32)
    idx_j = idx_j.astype(jnp.int32)
    zj = _make_zj_kernel()(z, idx_j)
    ve = jnp.repeat(valence, EMBED, axis=1)
    ve = jnp.pad(ve, ((0, KDIM - MAX_Z), (0, 0)))
    vet = ve.T.astype(jnp.bfloat16)
    out_t = _expand_call(zj.reshape(_NB, 1, _B), vet)
    return out_t.reshape(N_ORB, EMBED, N_EDGES).transpose(2, 0, 1)

# --- scband reference (transcript-rebuilt; emitter-appended) ---
"""Pipeline reference for scband-valence-mask-4140348473498 (READ-ONLY COPY).

The authoritative reference and input builder live on the scoring server;
editing this copy changes nothing except your own understanding.
"""

import jax, jax.numpy as jnp
import numpy as np

N_NODES = 10000
N_EDGES = 160000
N_ORB = 37
MAX_Z = 100
EMBED_DIM = 16

def setup_inputs(seed: int = 0) -> dict:
    key = jax.random.key(seed)
    k1, k2, k3 = jax.random.split(key, 3)
    z = jax.random.randint(k1, (N_NODES,), 0, 96, dtype=jnp.int64) if jax.config.jax_enable_x64 else jax.random.randint(k1, (N_NODES,), 0, 96, dtype=jnp.int32)
    idx_j = jax.random.randint(k2, (N_EDGES,), 0, N_NODES, dtype=jnp.int32)
    # valence buffer: binary mask table [max_z, n_orb], 1 for valence orbitals, 0 otherwise
    valence = (jax.random.uniform(k3, (MAX_Z, N_ORB)) < 0.3).astype(jnp.float32)
    return {"z": z, "idx_j": idx_j, "valence": valence}

def reference(z, idx_j, valence):
    # valence_mask = self.valence[z]  -> [n_node, n_orb]
    valence_mask = jnp.take(valence, z, axis=0)
    # unsqueeze(-1).expand(-1, -1, embed_dim) -> [n_node, n_orb, embed_dim]
    vm = jnp.broadcast_to(valence_mask[:, :, None], (valence_mask.shape[0], N_ORB, EMBED_DIM))
    # [idx_j] -> [n_edge, n_orb, embed_dim]
    return jnp.take(vm, idx_j, axis=0)

if __name__ == "__main__":
    import jax
    _d = setup_inputs()
    print(jax.jit(kernel)(*tuple(_d.values())))

</pallas_src>

<mosaic_0001>
#map = affine_map<(d0, d1) -> (0)>
module attributes {stable_mosaic.version = 14 : i64} {
  func.func @zj_kernel(%arg0: i32, %arg1: i32, %arg2: memref<10000xi32, #tpu.memory_space<hbm>>, %arg3: memref<160000xi32, #tpu.memory_space<hbm>>, %arg4: memref<160000xi32, #tpu.memory_space<hbm>>, %arg5: memref<10000xi32, #tpu.memory_space<vmem>>, %arg6: memref<5008xi32, #tpu.memory_space<vmem>>, %arg7: memref<5008xi32, #tpu.memory_space<vmem>>, %arg8: memref<!tpu.dma_semaphore, #tpu.memory_space<semaphore_mem>>, %arg9: memref<!tpu.dma_semaphore, #tpu.memory_space<semaphore_mem>>) attributes {dimension_semantics = [#tpu.dimension_semantics<core_parallel>, #tpu.dimension_semantics<subcore_parallel>], iteration_bounds = array<i64: 2, 16>, scalar_prefetch = 0 : i64, scratch_operands = 5 : i64, tpu.core_type = #tpu.core_type<sc_vector_subcore>, window_params = [{transform_indices = #map}, {transform_indices = #map}, {transform_indices = #map}]} {
    %mul3A = arith.constant 2 : i32
    %mul3A_0 = arith.muli %arg1, %mul3A : i32
    %add3A = arith.addi %mul3A_0, %arg0 : i32
    %mul3A_1 = arith.constant 5000 : i32
    %mul3A_2 = arith.muli %add3A, %mul3A_1 : i32
    %broadcast_in_dim3A = arith.constant 0 : i32
    %broadcast_in_dim3A_3 = vector.broadcast %broadcast_in_dim3A : i32 to vector<16xi32>
    %swap3A = arith.constant 4992 : index
    %swap3A_4 = tpu.vector_load %arg6[%swap3A] {strides = array<i32>} : memref<5008xi32, #tpu.memory_space<vmem>>, vector<16xi32>,
    tpu.vector_store %arg6[%swap3A], %broadcast_in_dim3A_3 {strides = array<i32>} : memref<5008xi32, #tpu.memory_space<vmem>>, vector<16xi32>,
    tpu.enqueue_dma source(%arg2 : memref<10000xi32, #tpu.memory_space<hbm>>) target(%arg5 : memref<10000xi32, #tpu.memory_space<vmem>>) target_semaphore(%arg8 : memref<!tpu.dma_semaphore, #tpu.memory_space<semaphore_mem>>)
    %dma_start3A = arith.constant 0 : i32
    %dma_start3A_5 = tpu.memref_slice %arg6[%dma_start3A] : memref<5008xi32, #tpu.memory_space<vmem>> -> memref<5000xi32, #tpu.memory_space<vmem>>
    %dma_start3A_6 = tpu.memref_slice %arg3[%mul3A_2] : memref<160000xi32, #tpu.memory_space<hbm>> -> memref<5000xi32, #tpu.memory_space<hbm>>
    %dma_start3A_7 = arith.constant 0 : i32
    %dma_start3A_8 = tpu.memref_slice %arg6[%dma_start3A_7] : memref<5008xi32, #tpu.memory_space<vmem>> -> memref<5000xi32, #tpu.memory_space<vmem>>
    %dma_start3A_9 = tpu.memref_slice %arg3[%mul3A_2] : memref<160000xi32, #tpu.memory_space<hbm>> -> memref<5000xi32, #tpu.memory_space<hbm>>
    tpu.enqueue_dma source(%dma_start3A_9 : memref<5000xi32, #tpu.memory_space<hbm>>) target(%dma_start3A_8 : memref<5000xi32, #tpu.memory_space<vmem>>) target_semaphore(%arg9 : memref<!tpu.dma_semaphore, #tpu.memory_space<semaphore_mem>>)
    tpu.wait_dma2 semaphore(%arg8 : memref<!tpu.dma_semaphore, #tpu.memory_space<semaphore_mem>>) src(%arg2 : memref<10000xi32, #tpu.memory_space<hbm>>) dst(%arg5 : memref<10000xi32, #tpu.memory_space<vmem>>)
    %dma_wait3A = arith.constant 0 : i32
    %dma_wait3A_10 = tpu.memref_slice %arg6[%dma_wait3A] : memref<5008xi32, #tpu.memory_space<vmem>> -> memref<5000xi32, #tpu.memory_space<vmem>>
    %dma_wait3A_11 = tpu.memref_slice %arg3[%mul3A_2] : memref<160000xi32, #tpu.memory_space<hbm>> -> memref<5000xi32, #tpu.memory_space<hbm>>
    %dma_wait3A_12 = arith.constant 0 : i32
    %dma_wait3A_13 = tpu.memref_slice %arg6[%dma_wait3A_12] : memref<5008xi32, #tpu.memory_space<vmem>> -> memref<5000xi32, #tpu.memory_space<vmem>>
    %dma_wait3A_14 = tpu.memref_slice %arg3[%mul3A_2] : memref<160000xi32, #tpu.memory_space<hbm>> -> memref<5000xi32, #tpu.memory_space<hbm>>
    tpu.wait_dma2 semaphore(%arg9 : memref<!tpu.dma_semaphore, #tpu.memory_space<semaphore_mem>>) src(%dma_wait3A_14 : memref<5000xi32, #tpu.memory_space<hbm>>) dst(%dma_wait3A_13 : memref<5000xi32, #tpu.memory_space<vmem>>)
    %parallel_loop3A = arith.constant 0 : i32
    %parallel_loop3A_15 = arith.constant 313 : i32
    %parallel_loop3A_16 = arith.constant 1 : i32
    scf.for %parallel_loop3A_17 = %parallel_loop3A to %parallel_loop3A_15 step %parallel_loop3A_16  : i32 {
      %parallel_loop3A_18 = arith.constant 16 : i32
      %parallel_loop3A_19 = arith.muli %parallel_loop3A_17, %parallel_loop3A_18 : i32
      %parallel_loop3A_20 = arith.index_cast %parallel_loop3A_19 : i32 to index
      %parallel_loop3A_21 = tpu.vector_load %arg6[%parallel_loop3A_20] {strides = array<i32>} : memref<5008xi32, #tpu.memory_space<vmem>>, vector<16xi32>,
      %parallel_loop3A_22 = tpu.vector_load_idx %arg5[%parallel_loop3A_21] : memref<10000xi32, #tpu.memory_space<vmem>>[vector<16xi32>], vector<16xi32>,
      %parallel_loop3A_23 = arith.constant 16 : i32
      %parallel_loop3A_24 = arith.muli %parallel_loop3A_17, %parallel_loop3A_23 : i32
      %parallel_loop3A_25 = arith.index_cast %parallel_loop3A_24 : i32 to index
      %parallel_loop3A_26 = tpu.vector_load %arg7[%parallel_loop3A_25] {strides = array<i32>} : memref<5008xi32, #tpu.memory_space<vmem>>, vector<16xi32>,
      tpu.vector_store %arg7[%parallel_loop3A_25], %parallel_loop3A_22 {strides = array<i32>} : memref<5008xi32, #tpu.memory_space<vmem>>, vector<16xi32>,
    } {sc.loop_unroll_factor = 8 : i64, sc.parallel_access}
    "tpu.region"() ({
      %run_scoped3A = tpu.sem_alloc : memref<!tpu.dma_semaphore, #tpu.memory_space<semaphore_mem>>
      %dma_start3A_17 = arith.constant 0 : i32
      %dma_start3A_18 = tpu.memref_slice %arg7[%dma_start3A_17] : memref<5008xi32, #tpu.memory_space<vmem>> -> memref<5000xi32, #tpu.memory_space<vmem>>
      %dma_start3A_19 = tpu.memref_slice %arg4[%mul3A_2] : memref<160000xi32, #tpu.memory_space<hbm>> -> memref<5000xi32, #tpu.memory_space<hbm>>
      %dma_start3A_20 = tpu.memref_slice %arg4[%mul3A_2] : memref<160000xi32, #tpu.memory_space<hbm>> -> memref<5000xi32, #tpu.memory_space<hbm>>
      %dma_start3A_21 = arith.constant 0 : i32
      %dma_start3A_22 = tpu.memref_slice %arg7[%dma_start3A_21] : memref<5008xi32, #tpu.memory_space<vmem>> -> memref<5000xi32, #tpu.memory_space<vmem>>
      tpu.enqueue_dma source(%dma_start3A_22 : memref<5000xi32, #tpu.memory_space<vmem>>) target(%dma_start3A_20 : memref<5000xi32, #tpu.memory_space<hbm>>) target_semaphore(%run_scoped3A : memref<!tpu.dma_semaphore, #tpu.memory_space<semaphore_mem>>)
      %dma_wait3A_23 = arith.constant 0 : i32
      %dma_wait3A_24 = tpu.memref_slice %arg7[%dma_wait3A_23] : memref<5008xi32, #tpu.memory_space<vmem>> -> memref<5000xi32, #tpu.memory_space<vmem>>
      %dma_wait3A_25 = tpu.memref_slice %arg4[%mul3A_2] : memref<160000xi32, #tpu.memory_space<hbm>> -> memref<5000xi32, #tpu.memory_space<hbm>>
      %dma_wait3A_26 = tpu.memref_slice %arg4[%mul3A_2] : memref<160000xi32, #tpu.memory_space<hbm>> -> memref<5000xi32, #tpu.memory_space<hbm>>
      %dma_wait3A_27 = arith.constant 0 : i32
      %dma_wait3A_28 = tpu.memref_slice %arg7[%dma_wait3A_27] : memref<5008xi32, #tpu.memory_space<vmem>> -> memref<5000xi32, #tpu.memory_space<vmem>>
      tpu.wait_dma2 semaphore(%run_scoped3A : memref<!tpu.dma_semaphore, #tpu.memory_space<semaphore_mem>>) src(%dma_wait3A_28 : memref<5000xi32, #tpu.memory_space<vmem>>) dst(%dma_wait3A_26 : memref<5000xi32, #tpu.memory_space<hbm>>)
      tpu.yield
    }) : () -> ()
    return
  }
}

module attributes {stable_mosaic.version = 14 : i64} {
  func.func @_expand_body(%arg0: i32, %arg1: memref<1x1x3200xi32, #tpu.memory_space<vmem>>, %arg2: memref<592x128xbf16, #tpu.memory_space<vmem>>, %arg3: memref<592x3200xf32, #tpu.memory_space<vmem>>) attributes {dimension_semantics = [#tpu.dimension_semantics<arbitrary>], iteration_bounds = array<i64: 50>, scalar_prefetch = 0 : i64, scratch_operands = 0 : i64, tpu.core_type = #tpu.core_type<tc>, window_params = [{transform_indices = @transform_0, window_bounds = array<i64: 1, 1, 3200>}, {pipeline_mode = #tpu.pipeline_mode<synchronous>, transform_indices = @transform_1, window_bounds = array<i64: 592, 128>}, {transform_indices = @transform_2, window_bounds = array<i64: 592, 3200>}]} {
    %get3A = arith.constant 0 : index
    %get3A_0 = arith.constant 0 : index
    %get3A_1 = arith.constant 0 : index
    %get3A_2 = vector.load %arg1[%get3A, %get3A_0, %get3A_1] : memref<1x1x3200xi32, #tpu.memory_space<vmem>>, vector<1x1x3200xi32>
    %get3A_3 = vector.shape_cast %get3A_2 : vector<1x1x3200xi32> to vector<1x3200xi32>
    %iota3A = tpu.iota {dimensions = array<i32: 0>} : vector<128x3200xi32>
    %eq3A = vector.broadcast %get3A_3 : vector<1x3200xi32> to vector<128x3200xi32>
    %eq3A_4 = arith.cmpi eq, %iota3A, %eq3A : vector<128x3200xi32>
    %convert_element_type3A = arith.extui %eq3A_4 : vector<128x3200xi1> to vector<128x3200xi32>
    %convert_element_type3A_5 = arith.sitofp %convert_element_type3A : vector<128x3200xi32> to vector<128x3200xf32>
    %convert_element_type3A_6 = arith.truncf %convert_element_type3A_5 : vector<128x3200xf32> to vector<128x3200xbf16>
    %get3A_7 = arith.constant 0 : index
    %get3A_8 = arith.constant 0 : index
    %get3A_9 = vector.load %arg2[%get3A_7, %get3A_8] : memref<592x128xbf16, #tpu.memory_space<vmem>>, vector<592x128xbf16>
    %dot_general3A = arith.constant dense<0.000000e+00> : vector<592x3200xf32>
    %dot_general3A_10 = tpu.matmul %get3A_9, %convert_element_type3A_6, %dot_general3A {dimension_numbers = #tpu.dot_dimension_numbers<[1], [0], [0], [1], [0, 0, 1, 1], [], []>, transpose_lhs_hint = false} : vector<592x128xbf16>, vector<128x3200xbf16>, vector<592x3200xf32> -> vector<592x3200xf32>
    %swap3A = arith.constant 0 : index
    %swap3A_11 = arith.constant 0 : index
    %swap3A_12 = vector.load %arg3[%swap3A, %swap3A_11] : memref<592x3200xf32, #tpu.memory_space<vmem>>, vector<592x3200xf32>
    tpu.vector_store %arg3[%swap3A, %swap3A_11], %dot_general3A_10 {strides = array<i32>} : memref<592x3200xf32, #tpu.memory_space<vmem>>, vector<592x3200xf32>,
    return
  }
  func.func @transform_0(%arg0: i32) -> (i32, i32, i32) {
    %c0_i32 = arith.constant 0 : i32
    %c0_i32_0 = arith.constant 0 : i32
    %c0_i32_1 = arith.constant 0 : i32
    return %arg0, %c0_i32, %c0_i32_0 : i32, i32, i32
  }
  func.func @transform_1(%arg0: i32) -> (i32, i32) {
    %c0_i32 = arith.constant 0 : i32
    %c0_i32_0 = arith.constant 0 : i32
    %c0_i32_1 = arith.constant 0 : i32
    return %c0_i32, %c0_i32_0 : i32, i32
  }
  func.func @transform_2(%arg0: i32) -> (i32, i32) {
    %c0_i32 = arith.constant 0 : i32
    %c0_i32_0 = arith.constant 0 : i32
    return %c0_i32, %arg0 : i32, i32
  }
}

</mosaic_0001>

<sc_bundles>
// kernel: kernel.4.cloned.1.call-start
scs
__scs_entry_jumppad:
0x0: {  	(pc) =	sbr.rel $0x88, $3  }
0x1: {  	(tag) =	ssettag $0x0;
	lr =	simm.s32 $0x1  }
0x2: {  	[smem:$0x3F9E] =	sst lr;
	_ =	strace $0xD0000000  }
0x3: {  	_ = 	snop  }
0x4: {  	_ = 	snop  }
0x5: {  	_ = 	snop  }
0x6: {  	_ = 	snop  }
0x7: {  	_ = 	snop  }
__scs_overlays_trampoline_lowered:
0x8: {  	[smem:$0x3FAD] =	sst s0  }
0x9: {  	[smem:$0x3FAE] =	sst s1  }
0xa: {  	[smem:$0x3FAF] =	sst s2  }
0xb: {  	[smem:$0x3FB0] =	sst s3  }
0xc: {  	[smem:$0x3FB1] =	sst s4  }
0xd: {  	[smem:$0x3FB2] =	sst s5  }
0xe: {  	[smem:$0x3FB3] =	sst s6  }
0xf: {  	[smem:$0x3FB4] =	sst s7  }
0x10: {  	[smem:$0x3FB5] =	sst s8  }
0x11: {  	[smem:$0x3FB6] =	sst s9;
	s0 =	simm.s32 @!p0 $0x0  }
0x12: {  	s1 =	sld [smem:$0x3F9C];
	s0 =	simm.s32 @p0 $0x1  }
0x13: {  	[smem:$0x3FB7] =	sst s0;
	s0 =	simm.s32 @!p1 $0x0  }
0x14: {  	s2 =	sld [smem:$0x3F9B];
	s0 =	simm.s32 @p1 $0x1  }
0x15: {  	[smem:$0x3FB8] =	sst s0;
	s0 =	simm.s32 @!p2 $0x0  }
0x16: {  	s3 =	sld [smem:$0x3FDB];
	s0 =	simm.s32 @p2 $0x1  }
0x17: {  	s4 =	simm.s32 $0x1BF5;
	[smem:$0x3FBA] =	sst s0  }
0x18: {  	s0 =	sld [smem:$0x3F9D];
	_ =	swait.ge [sflag:s4], $0x0  }
0x19: {  	s7 =	sld [smem:$0x3F9E]  }
0x1a: {  	s8 =	sadd.s32 $0xFFFFE003, lr  }
0x1b: {  	s9 =	sadd.s32 $0xFFFFFEF7, lr;
	s5 =	simm.s32 $0xFFFFFFFF;
	p2 =	slt.u32 s8, $0xFFFFF086  }
0x1c: {  	p1 =	slt.u32 s9, $0xF7A;
	s5 =	simm.s32 @!p2 $0x0  }
0x1d: {  	s5 =	simm.s32 @p1 $0x1;
	p0 =	seq.s32 s7, s2  }
0x1e: {  	s7 =	smul.u32 @!p0 $0xF7A, s2;
	p2 =	seq.s32 @!p0 s5, $0x0  }
0x1f: {  	s9 =	smul.u32 $0xF7A, s1;
	s8 =	simm.s32 @!p0 $0x1BF5;
	p2 =	por !p2, p0  }
0x20: {  	[sflag:s8] =	ssyncset.s32 @!p0 $0xFFFFF086;
	s6 =	sadd.s32 @!p0 s3, s7;
	s7 =	simm.s32 @!p0 $0x108  }
0x21: {  	s3 =	sadd.s32 s3, s9;
	s6 =	sadd.s32 @!p0 $0x88, s6;
	s7 =	simm.s32 @p2 $0x1082  }
0x22: {  	[simem:s7], [sflag:s8] =	dma.local @!p0 [hbm:s6], $0xF7A  }
0x23: {  	s9 =	sor.u32 $0xD0000000, s2;
	s6 =	simm.s32 $0x108;
	_ =	swait.ge @!p0 [sflag:s8], $0x0  }
0x24: {  	s3 =	sadd.s32 $0x88, s3;
	s6 =	simm.s32 @!p1 $0x1082;
	[sflag:s4] =	ssyncset.s32 $0xFFFFF086  }
0x25: {  	[simem:s6], [sflag:s4] =	dma.local [hbm:s3], $0xF7A  }
0x26: {  	[smem:$0x3F9E] =	sst s1;
	(tag) =	ssettag s2;
	_ =	strace s9  }
0x27: {  	s1 =	sld [smem:$0x3FAE]  }
0x28: {  	s2 =	sld [smem:$0x3FAF]  }
0x29: {  	s4 =	sld [smem:$0x3FB1]  }
0x2a: {  	p0 =	seq.s32 s5, $0x0;
	s5 =	sld [smem:$0x3FB2]  }
0x2b: {  	s6 =	sld [smem:$0x3FB3]  }
0x2c: {  	s7 =	sld [smem:$0x3FB4]  }
0x2d: {  	s3 =	simm.s32 $0x108;
	s8 =	sld [smem:$0x3FB5]  }
0x2e: {  	s3 =	simm.s32 @!p0 $0x1082;
	s9 =	sld [smem:$0x3FB6]  }
0x2f: {  	lr =	sadd.s32 s0, s3;
	s0 =	sld [smem:$0x3FAD]  }
0x30: {  	s3 =	sld [smem:$0x3FB0]  }
0x31: {  	[smem:$0x3FB9] =	sst s10  }
0x32: {  	s10 =	sld [smem:$0x3FB7];
	_ =	sdelay $0x3  }
0x33: {  	p0 =	seq.s32 s10, $0x1;
	s10 =	sld [smem:$0x3FB9];
	_ =	sdelay $0x3  }
0x34: {  	[smem:$0x3FB9] =	sst s10  }
0x35: {  	s10 =	sld [smem:$0x3FB8];
	_ =	sdelay $0x3  }
0x36: {  	p1 =	seq.s32 s10, $0x1;
	s10 =	sld [smem:$0x3FB9];
	_ =	sdelay $0x3  }
0x37: {  	[smem:$0x3FB9] =	sst s10  }
0x38: {  	s10 =	sld [smem:$0x3FBA]  }
0x39: {  	_ = 	snop;
	(pc) =	sbr.ind lr, $3  }
0x3a: {  	_ = 	snop  }
0x3b: {  	_ = 	snop  }
0x3c: {  	p2 =	seq.s32 s10, $0x1;
	s10 =	sld [smem:$0x3FB9]  }
0x3d: {  	_ =	shalt  }
0x3e: {  	_ =	shalt  }
0x3f: {  	_ =	shalt  }
0x40: {  	_ =	shalt  }
0x41: {  	_ =	shalt  }
0x42: {  	_ =	shalt  }
0x43: {  	_ =	shalt  }
0x44: {  	_ =	shalt  }
0x45: {  	_ =	shalt  }
0x46: {  	_ =	shalt  }
0x47: {  	_ =	shalt  }
0x48: {  	_ =	shalt  }
0x49: {  	_ =	shalt  }
0x4a: {  	_ =	shalt  }
0x4b: {  	_ =	shalt  }
0x4c: {  	_ =	shalt  }
0x4d: {  	_ =	shalt  }
0x4e: {  	_ =	shalt  }
0x4f: {  	_ =	shalt  }
0x50: {  	_ =	shalt  }
0x51: {  	_ =	shalt  }
0x52: {  	_ =	shalt  }
0x53: {  	_ =	shalt  }
0x54: {  	_ =	shalt  }
0x55: {  	_ =	shalt  }
0x56: {  	_ =	shalt  }
0x57: {  	_ =	shalt  }
0x58: {  	_ =	shalt  }
0x59: {  	_ =	shalt  }
0x5a: {  	_ =	shalt  }
0x5b: {  	_ =	shalt  }
0x5c: {  	_ =	shalt  }
0x5d: {  	_ =	shalt  }
0x5e: {  	_ =	shalt  }
0x5f: {  	_ =	shalt  }
0x60: {  	_ =	shalt  }
0x61: {  	_ =	shalt  }
0x62: {  	_ =	shalt  }
0x63: {  	_ =	shalt  }
0x64: {  	_ =	shalt  }
0x65: {  	_ =	shalt  }
0x66: {  	_ =	shalt  }
0x67: {  	_ =	shalt  }
0x68: {  	_ =	shalt  }
0x69: {  	_ =	shalt  }
0x6a: {  	_ =	shalt  }
0x6b: {  	_ =	shalt  }
0x6c: {  	_ =	shalt  }
0x6d: {  	_ =	shalt  }
0x6e: {  	_ =	shalt  }
0x6f: {  	_ =	shalt  }
0x70: {  	_ =	shalt  }
0x71: {  	_ =	shalt  }
0x72: {  	_ =	shalt  }
0x73: {  	_ =	shalt  }
0x74: {  	_ =	shalt  }
0x75: {  	_ =	shalt  }
0x76: {  	_ =	shalt  }
0x77: {  	_ =	shalt  }
0x78: {  	_ =	shalt  }
0x79: {  	_ =	shalt  }
0x7a: {  	_ =	shalt  }
0x7b: {  	_ =	shalt  }
0x7c: {  	_ =	shalt  }
0x7d: {  	_ =	shalt  }
0x7e: {  	_ =	shalt  }
0x7f: {  	_ =	shalt  }
0x80: {  	_ =	shalt  }
0x81: {  	_ =	shalt  }
0x82: {  	_ =	shalt  }
0x83: {  	_ =	shalt  }
0x84: {  	_ =	shalt  }
0x85: {  	_ =	shalt  }
0x86: {  	_ =	shalt  }
0x87: {  	_ =	shalt  }
.Lfunc_end0:
.L_simem_size_0:
called_computation_lowered:
.L_overlay_start_0:
0x88: {  	s2 =	sld [smem:$0x3FD9]  }
0x89: {  	s3 =	sld [smem:$0x3FFE];
	_ =	sdelay $0x1  }
0x8a: {  	s1 =	srdreg.scid  }
0x8b: {  	s0 =	sand.u32 $0x1, s1  }
0x8c: {  	s18 =	sshll.u32 s0, $0xA;
	s2 =	sadd.s32 s3, s2  }
0x8d: {  	s2 =	sadd.s32 s2, s18  }
0x8e: {  	[smem:$0x3FC5] =	sst s2  }
0x8f: {  	_ = 	snop  }
0x90: {  	s2 =	sld [smem:$0x3FC9]  }
0x91: {  	s19 =	sld [smem:$0x3FC8]  }
0x92: {  	s4 =	sld [smem:$0x3FD0];
	(tm) =	ssettm $0x1  }
0x93: {  	s5 =	sld [smem:$0x3FFB];
	_ =	sdelay $0x3  }
0x94: {  	_ =	strace s5  }
0x95: {  	s5 =	sld [smem:$0x3FFC];
	_ =	sdelay $0x3  }
0x96: {  	_ =	strace s5  }
0x97: {  	s5 =	sld [smem:$0x3FFD];
	_ =	sdelay $0x3  }
0x98: {  	_ =	strace s5  }
0x99: {  	_ =	strace $0x8FFFFFFF  }
0x9a: {  	s20 =	sld [smem:$0x3FDB];
	_ =	sdelay $0x1  }
0x9b: {  	s6 =	simm.s32 $_scs_section_size  }
0x9c: {  	s7 =	simm.s32 $_size__tile_overlayer_lowered;
	s8 =	simm.s32 $_tile_overlayer_lowered  }
0x9d: {  	s23 =	simm.s32 $0x1BFF;
	s22 =	sshll.u32 s8, $0x1;
	s5 =	sadd.s32 s6, s20  }
0x9e: {  	s9 =	simm.s32 $0x0;
	s21 =	sshll.u32 s7, $0x1;
	s7 =	sadd.s32 s22, s5  }
0x9f: {  	[timem:s9], [sflag:s23] =	dma.local [hbm:s7], s21  }
0xa0: {  	_ =	swait.ge [sflag:s23], s21  }
0xa1: {  	s6 =	ssub.s32 $0x0, s21;
	[sflag:s23] =	ssyncset.done $0x0  }
0xa2: {  	[sflag:s23] =	ssyncadd.s32 s6;
	_ =	sdelay $0x1  }
0xa3: {  	s24 =	simm.s32 $0x1B8B  }
0xa4: {  	_ =	swait.ge [sflag:s24], $0x1  }
0xa5: {  	[sflag:s24] =	ssyncset.done $0x0  }
0xa6: {  	s25 =	simm.s32 $0x1B8E;
	[sflag:s24] =	ssyncadd.s32 $0xFFFFFFFF  }
0xa7: {  	s26 =	simm.s32 $execute0_lowered;
	[smem:$0x3FD2] =	sst s25  }
0xa8: {  	s6 =	sshll.u32 s26, $0x1;
	_ =	strace $0x80000046;
	[dreg:$0x1] =	wrdreg $0xFFFFFFFF  }
0xa9: {  	s28 =	simm.s32 $_size_execute0_lowered;
	s5 =	sadd.s32 s5, s6;
	[dreg:$0x0] =	wrdreg $0x0  }
0xaa: {  	s6 =	sshll.u32 s28, $0x1;
	[dreg:$0x2] =	wrdreg s5  }
0xab: {  	[dreg:$0x3] =	wrdreg s6  }
0xac: {  	[dreg:$0x4] =	wrdreg $0xC0  }
0xad: {  	_ =	task [dreg:s9], $0x5FFFF  }
0xae: {  	[dreg:$0x1] =	wrdreg $0xFFFFFFFF  }
0xaf: {  	[dreg:$0x0] =	wrdreg $0x60  }
0xb0: {  	[dreg:$0x2] =	wrdreg s2  }
0xb1: {  	[dreg:$0x3] =	wrdreg s19  }
0xb2: {  	[dreg:$0x4] =	wrdreg s4  }
0xb3: {  	[dreg:$0x5] =	wrdreg $0x9  }
0xb4: {  	_ =	task.clear_ibuf [dreg:s9], $0x6FFFF;
	_ =	strace $0x90000046  }
0xb5: {  	s29 =	simm.s32 $0x9;
	_ =	strace $0x80000048  }
0xb6: {  	_ =	swait.ge [sflag:s29], $0x1  }
0xb7: {  	[sflag:s29] =	ssyncadd.s32 $0xFFFFFFFF  }
0xb8: {  	_ =	strace $0x90000048  }
0xb9: {  	_ =	sfence  }
0xba: {  	s30 =	sld [smem:$0x0];
	_ =	sdelay $0x2  }
0xbb: {  	s31 =	sshll.u32 s1, $0xD;
	s1 =	sshrl.u32 s1, $0x2  }
0xbc: {  	s3 =	sand.u32 $0x4000, s31;
	s1 =	sadd.s32 s1, s30  }
0xbd: {  	s0 =	sor.u32 s3, s0;
	s1 =	sshll.u32 s1, $0x11  }
0xbe: {  	s0 =	sor.u32 s1, s0  }
0xbf: {  	s0 =	sadd.s32 $0x8F2B, s0  }
0xc0: {  	[sflag:s0] =	ssyncadd.remote.s32 $0x1  }
0xc1: {  	_ =	sfence.sel $0xFFFF  }
0xc2: {  	[dreg:$0x0] =	wrdreg $0xFFFFFFFF;
	(pc) =	sbr.abs _section_cstart, $3  }
0xc3: {  	[dreg:$0x1] =	wrdreg $0xFFFFFFFF  }
0xc4: {  	_ =	task.clear_ibuf [dreg:s9], $0x2FFFF;
	_ =	strace $0x9FFFFFFF  }
0xc5: {  	(tm) =	ssettm $0x7FFFFFFF  }
tec
execute0_lowered:
.L_overlay_start_1:
0x0: {  	(tag) =	ssettag $0x1  }
0x1: {  	s2 =	rddreg [dreg:$0x0]  }
0x2: {  	s4 =	rddreg [dreg:$0x1]  }
0x3: {  	s5 =	rddreg [dreg:$0x2];
	s3 =	srdreg.scid  }
0x4: {  	s1 =	stileid.u32;
	s0 =	rddreg [dreg:$0x3];
	s9 =	simm.s32 $0x2  }
0x5: {  	s10 =	simm.s32 $0x3B80;
	s6 =	sand.u32 $0x1, s3;
	s7 =	sshll.u32 s1, $0x1  }
0x6: {  	s3 =	simm.s32 $0x0;
	s8 =	ssub.s32 $0x2, s6;
	s6 =	sor.u32 s6, s7  }
0x7: {  	s11 =	simm.s32 $0x3;
	[smem:$0x7FF] =	sst s3;
	s6 =	smul.u32 $0x271, s6  }
0x8: {  	s12 =	simm.s32 $0x0;
	s31 =	sshrl.u32 s8, $0x1;
	_ =	strace $0x80000047  }
0x9: {  	s7 =	ssub.s32 s8, s31;
	s8 =	simm.s32 $0x1;
	s4 =	sadd.s32 s4, s6  }
0xa: {  	v0 =	vimm.s32 $0x0;
	s5 =	sadd.s32 s5, s6;
	s6 =	smax.u32 s7, $0x1;
	s7 =	simm.s32 $0x2780  }
.LBB2_1:
0xb: {  	[tilespmem:$0x3B00] =	vst v0  }
0xc: {  	[tilespmem:s3], [sflag:$0x1] =	stream.linear.gather [hbm4b:s2+s3], $0x2780, $0x38;
	[tilespmem:$0x4F80] =	vst v63  }
0xd: {  	_ = 	snop  }
0xe: {  	[tilespmem:s7], [sflag:$0x2] =	stream.linear.gather [hbm4b:s4+s3], $0x1388, $0x38;
	[tilespmem:$0x4F80] =	vst v63  }
0xf: {  	_ =	swait.ge [sflag:s8], $0x2780  }
0x10: {  	[sflag:s8] =	ssyncset.done $0x0  }
0x11: {  	[sflag:s8] =	ssyncadd.s32 $0xFFFFD880  }
0x12: {  	_ =	swait.ge [sflag:s9], $0x1388  }
0x13: {  	[sflag:s9] =	ssyncset.done $0x0  }
0x14: {  	s13 =	simm.s32 $0x27C0;
	[sflag:s9] =	ssyncadd.s32 $0xFFFFEC78  }
0x15: {  	v1 =	vld [tilespmem:s13+$0x30]  }
0x16: {  	v2 =	vld [tilespmem:s13+$0xFFFFFFD0]  }
0x17: {  	v3 =	vld [tilespmem:s13+$0xFFFFFFE0]  }
0x18: {  	v4 =	vld [tilespmem:s13+$0xFFFFFFF0]  }
0x19: {  	v5 =	vld [tilespmem:s13+$0x0]  }
0x1a: {  	v7 =	vld [tilespmem:s13+$0x10]  }
0x1b: {  	v8 =	vld [tilespmem:s13+$0x20]  }
0x1c: {  	v9 =	vld [tilespmem:s13+$0xFFFFFFC0]  }
0x1d: {  	v10 =	vld.idx.msk [tilespmem:v1+s3+$0x0], $0xffff  }
0x1e: {  	v11 =	vld.idx.msk [tilespmem:v2+s3+$0x0], $0xffff  }
0x1f: {  	v6 =	vld.idx.msk [tilespmem:v3+s3+$0x0], $0xffff  }
0x20: {  	v4 =	vld.idx.msk [tilespmem:v4+s3+$0x0], $0xffff  }
0x21: {  	v1 =	vld.idx.msk [tilespmem:v5+s3+$0x0], $0xffff  }
0x22: {  	s13 =	simm.s32 $0x3BC0;
	v2 =	vld.idx.msk [tilespmem:v7+s3+$0x0], $0xffff  }
0x23: {  	v3 =	vld.idx.msk [tilespmem:v8+s3+$0x0], $0xffff;
	[tilespmem:s13+$0x30] =	vst v10  }
0x24: {  	s14 =	simm.s32 $0x0;
	s15 =	simm.s32 $0x2840;
	v5 =	vld.idx.msk [tilespmem:v9+s3+$0x0], $0xffff;
	[tilespmem:s13+$0xFFFFFFD0] =	vst v11  }
.LBB2_2:
0x25: {  	v7 =	vld [tilespmem:s15+$0x30];
	s14 =	sadd.s32 $0x8, s14;
	[tilespmem:s13+$0xFFFFFFE0] =	vst v6  }
0x26: {  	v6 =	vld [tilespmem:s15+$0xFFFFFFD0];
	p0 =	slt.u32 s14, $0x130;
	[tilespmem:s13+$0xFFFFFFF0] =	vst v4  }
0x27: {  	v4 =	vld [tilespmem:s15+$0xFFFFFFE0];
	[tilespmem:s13+$0x0] =	vst v1  }
0x28: {  	v1 =	vld [tilespmem:s15+$0xFFFFFFF0];
	[tilespmem:s13+$0x10] =	vst v2  }
0x29: {  	v2 =	vld [tilespmem:s15+$0x0];
	[tilespmem:s13+$0x20] =	vst v3  }
0x2a: {  	v3 =	vld [tilespmem:s15+$0x10];
	[tilespmem:s13+$0xFFFFFFC0] =	vst v5  }
0x2b: {  	v5 =	vld [tilespmem:s15+$0x20]  }
0x2c: {  	v8 =	vld [tilespmem:s15+$0xFFFFFFC0]  }
0x2d: {  	v7 =	vld.idx.msk [tilespmem:v7+s3+$0x0], $0xffff  }
0x2e: {  	v9 =	vld.idx.msk [tilespmem:v6+s3+$0x0], $0xffff  }
0x2f: {  	v6 =	vld.idx.msk [tilespmem:v4+s3+$0x0], $0xffff  }
.Ltmp0:
0x30: {  	v4 =	vld.idx.msk [tilespmem:v1+s3+$0x0], $0xffff;
	(pc) =	sbr.rel @p0 .LBB2_2-.Ltmp0, $4  }
0x31: {  	v1 =	vld.idx.msk [tilespmem:v2+s3+$0x0], $0xffff  }
0x32: {  	s13 =	sadd.s32 $0x80, s13;
	v2 =	vld.idx.msk [tilespmem:v3+s3+$0x0], $0xffff  }
0x33: {  	v3 =	vld.idx.msk [tilespmem:v5+s3+$0x0], $0xffff;
	[tilespmem:s13+$0x30] =	vst v7  }
0x34: {  	s15 =	sadd.s32 $0x80, s15;
	v5 =	vld.idx.msk [tilespmem:v8+s3+$0x0], $0xffff;
	[tilespmem:s13+$0xFFFFFFD0] =	vst v9  }
0x35: {  	[tilespmem:s13+$0xFFFFFFE0] =	vst v6  }
0x36: {  	[tilespmem:s13+$0xFFFFFFF0] =	vst v4  }
0x37: {  	[tilespmem:s13+$0x0] =	vst v1  }
0x38: {  	[tilespmem:s13+$0x10] =	vst v2  }
0x39: {  	[tilespmem:s13+$0x20] =	vst v3  }
0x3a: {  	[tilespmem:s13+$0xFFFFFFC0] =	vst v5  }
0x3b: {  	v1 =	vld [tilespmem:$0x3B00];
	_ =	sdelay $0x7  }
0x3c: {  	v1 =	vld.idx.msk [tilespmem:v1+s3+$0x0], $0xffff;
	_ =	sdelay $0x2  }
0x3d: {  	s12 =	sadd.s32 $0x1, s12  }
0x3e: {  	p0 =	sne.s32 s12, s6  }
.Ltmp1:
0x3f: {  	[tilespmem:$0x4F00] =	vst v1;
	(pc) =	sbr.rel @p0 .LBB2_1-.Ltmp1, $4  }
0x40: {  	[hbm4b:s5+s3] =	stream.linear.scatter [tilespmem:s10], [sflag:$0x3], $0x1388, $0x38;
	[tilespmem:$0x4F80] =	vst v63  }
0x41: {  	_ =	swait.ge [sflag:s11], $0x1388  }
0x42: {  	[sflag:s11] =	ssyncset.done $0x0  }
0x43: {  	[sflag:s11] =	ssyncadd.s32 $0xFFFFEC78  }
0x44: {  	_ =	sfence.sel $0x180000  }
0x45: {  	[bflag:$0x0] =	sbarrier.arrive $0xFFFF  }
0x46: {  	p0 =	sne.s32 s1, $0x0;
	_ =	strace $0x90000047  }
0x47: {  	s0 =	sadd.s32 @!p0 $0x100000, s0;
	[bflag:$0x2] =	sbarrier.arrive $0xFFFF  }
0x48: {  	[sflag:s0] =	ssyncadd.tile.s32 @!p0 $0x1;
	_ =	shalt  }
.Lfunc_end2:
_tile_overlayer_lowered:
.L_overlay_start_2:
0x49: {  	(tag) =	ssettag $0x2  }
0x4a: {  	s0 =	rddreg [dreg:$0x0];
	s2 =	stileid.u32  }
0x4b: {  	s1 =	rddreg [dreg:$0x1];
	p0 =	sne.s32 s2, $0x0  }
0x4c: {  	s3 =	rddreg [dreg:$0x2];
	[bflag:$0x3] =	sbarrier.arrive $0xFFFF;
	s2 =	simm.s32 @!p0 $0x1C03  }
0x4d: {  	[timem:s3], [sflag:s2] =	dma.local @!p0 [hbm:s0], s1  }
0x4e: {  	s0 =	simm.s32 @!p0 $0x3  }
0x4f: {  	_ =	swait.ge @!p0 [sflag:s0], s1  }
0x50: {  	s1 =	ssub.s32 @!p0 $0x0, s1;
	[sflag:s0] =	ssyncset.done @!p0 $0x0  }
0x51: {  	[sflag:s0] =	ssyncadd.s32 @!p0 s1  }
0x52: {  	[bflag:$0x3] =	sbarrier.arrive $0xFFFF  }
0x53: {  	_ =	shalt  }

</sc_bundles>
